<compile_context>
chip_gen: v7x
topology: tpu7x:2x2x1
jax: 0.10.2.dev20260603
libtpu: 0.0.44.dev20260713+nightly
codegen_flags: <defaults>
</compile_context>

<pallas_src>
import functools

import jax
import jax.numpy as jnp
from jax import lax
from jax.experimental import pallas as pl
from jax.experimental.pallas import tpu as pltpu
from jax.experimental.pallas import tpu_sc as plsc

NC = 2
NS = 16
LANES = 16


@functools.lru_cache(maxsize=None)
def _build(num_nodes, feat, num_edges):
    et = -(-num_edges // (NS * LANES)) * LANES
    pad_edges = et * NS
    direct = pad_edges == num_edges
    hch = -(-(num_nodes + 1) // (NS * LANES)) * LANES
    hist = hch * NS
    tail = num_nodes - (NS - 1) * hch

    mesh = plsc.VectorSubcoreMesh(
        core_axis_name="c", subcore_axis_name="s", num_cores=NC, num_subcores=NS
    )

    @functools.partial(
        pl.kernel,
        out_type=jax.ShapeDtypeStruct((num_nodes,), jnp.float32),
        mesh=mesh,
        scratch_types=[
            pltpu.VMEM((et,), jnp.int32),
            pltpu.VMEM((et,), jnp.float32),
            pltpu.VMEM((hch,), jnp.float32),
            pltpu.VMEM((LANES,), jnp.float32),
            pltpu.VMEM((NS * LANES,), jnp.float32),
            pltpu.VMEM_SHARED((hist,), jnp.float32),
            pltpu.VMEM_SHARED((NS * LANES,), jnp.float32),
            pltpu.SemaphoreType.DMA,
            pltpu.SemaphoreType.DMA,
        ],
    )
    def sc_deg(rows_hbm, ones_hbm, deg_hbm, idx_v, ones_v, ch_v, mv, am, hist_s,
               maxs_s, sem1, sem2):
        c = lax.axis_index("c")
        s = lax.axis_index("s")
        zero16 = jnp.zeros((LANES,), jnp.float32)

        cp1 = pltpu.async_copy(rows_hbm.at[pl.ds(s * et, et)], idx_v, sem1)
        cp2 = pltpu.async_copy(ones_hbm, ones_v, sem2)

        def fill_zeros(i, carry):
            for k in range(5):
                ch_v[pl.ds((i * 5 + k) * LANES, LANES)] = zero16
            return carry

        lax.fori_loop(0, hch // (5 * LANES), fill_zeros, 0)
        pltpu.sync_copy(ch_v, hist_s.at[pl.ds(s * hch, hch)])
        cp1.wait()
        cp2.wait()
        plsc.subcore_barrier()
        pltpu.sync_copy(ones_v, hist_s.at[idx_v], add=True)
        plsc.subcore_barrier()

        pltpu.sync_copy(hist_s.at[pl.ds(s * hch, hch)], ch_v)
        lanes = lax.broadcasted_iota(jnp.int32, (LANES,), 0)

        def chunk_max(i, mx):
            v = ch_v[pl.ds(i * LANES, LANES)]
            gidx = s * hch + i * LANES + lanes
            return jnp.maximum(mx, jnp.where(gidx < num_nodes, v, 0.0))

        mx = lax.fori_loop(0, hch // LANES, chunk_max, jnp.zeros((LANES,), jnp.float32))
        mv[pl.ds(0, LANES)] = mx
        pltpu.sync_copy(mv, maxs_s.at[pl.ds(s * LANES, LANES)])
        plsc.subcore_barrier()
        pltpu.sync_copy(maxs_s, am)

        def tile_max(j, m2):
            return jnp.maximum(m2, am[pl.ds(j * LANES, LANES)])

        mx2 = lax.fori_loop(0, NS, tile_max, jnp.zeros((LANES,), jnp.float32))
        dnums = lax.GatherDimensionNumbers(
            offset_dims=(), collapsed_slice_dims=(0,), start_index_map=(0,)
        )
        for shift in (1, 2, 4, 8):
            shuf = lax.gather(
                mx2,
                (lanes ^ shift)[:, None],
                dnums,
                slice_sizes=(1,),
                mode=lax.GatherScatterMode.PROMISE_IN_BOUNDS,
            )
            mx2 = jnp.maximum(mx2, shuf)
        inv = 1.0 / mx2

        def scale(i, carry):
            ch_v[pl.ds(i * LANES, LANES)] = ch_v[pl.ds(i * LANES, LANES)] * inv
            return carry

        lax.fori_loop(0, hch // LANES, scale, 0)

        @pl.when((c == 0) & (s < NS - 1))
        def _():
            pltpu.sync_copy(ch_v, deg_hbm.at[pl.ds(s * hch, hch)])

        @pl.when((c == 0) & (s == NS - 1))
        def _():
            pltpu.sync_copy(
                ch_v.at[pl.ds(0, tail)], deg_hbm.at[pl.ds((NS - 1) * hch, tail)]
            )

    rb = 1000

    def cat_body(x_ref, d_ref, o_hbm, stage, sem):
        i = pl.program_id(0)
        stage[:, :feat] = x_ref[...]
        stage[:, feat : feat + 1] = d_ref[...]
        pltpu.async_copy(stage, o_hbm.at[pl.ds(i * rb, rb), :], sem).wait()

    tc_concat = pl.pallas_call(
        cat_body,
        grid=(num_nodes // rb,),
        in_specs=[
            pl.BlockSpec((rb, feat), lambda i: (i, 0)),
            pl.BlockSpec((rb, 1), lambda i: (i, 0)),
        ],
        out_specs=pl.BlockSpec(memory_space=pltpu.MemorySpace.HBM),
        out_shape=jax.ShapeDtypeStruct((num_nodes, feat + 1), jnp.float32),
        scratch_shapes=[
            pltpu.VMEM((rb, feat + 1), jnp.float32),
            pltpu.SemaphoreType.DMA,
        ],
    )

    def run(x, edge_index):
        if direct and edge_index.dtype == jnp.int32:
            rows = edge_index.reshape(-1)
        else:
            row = edge_index[0].astype(jnp.int32)
            pad = jnp.full((pad_edges - num_edges,), num_nodes, jnp.int32)
            rows = jnp.concatenate([row, pad])
        ones = jnp.ones((et,), jnp.float32)
        deg = sc_deg(rows, ones)
        return tc_concat(x, deg.reshape(num_nodes, 1))

    return run


def kernel(x, edge_index):
    return _build(x.shape[0], x.shape[1], edge_index.shape[1])(x, edge_index)

# --- scband reference (transcript-rebuilt; emitter-appended) ---
"""Pipeline reference for scband-centrality-encoding-28097676050466 (READ-ONLY COPY).

The authoritative reference and input builder live on the scoring server;
editing this copy changes nothing except your own understanding.
"""

import jax, jax.numpy as jnp
import numpy as np


def setup_inputs(seed: int = 0) -> dict:
    key = jax.random.key(seed)
    k1, k2 = jax.random.split(key)
    x = jax.random.normal(k1, (10000, 128), dtype=jnp.float32)
    edge_index = jax.random.randint(k2, (2, 320000), 0, 10000, dtype=jnp.int64)
    return {"x": x, "edge_index": edge_index}


def reference(x, edge_index):
    num_nodes = x.shape[0]
    row = edge_index[0]
    # degree via scatter-add (SparseCore-friendly)
    deg = jnp.zeros((num_nodes,), dtype=jnp.float32).at[row].add(1.0)
    max_deg = deg.max()
    deg = jnp.where(max_deg > 0, deg / max_deg, deg)
    out = jnp.concatenate([x, deg[:, None]], axis=1)
    return out

if __name__ == "__main__":
    import jax
    _d = setup_inputs()
    print(jax.jit(kernel)(*tuple(_d.values())))

</pallas_src>

<mosaic_0001>
#map = affine_map<(d0, d1) -> (0)>
module attributes {stable_mosaic.version = 14 : i64} {
  func.func @sc_deg(%arg0: i32, %arg1: i32, %arg2: memref<640000xi32, #tpu.memory_space<hbm>>, %arg3: memref<20000xf32, #tpu.memory_space<hbm>>, %arg4: memref<10000xf32, #tpu.memory_space<hbm>>, %arg5: memref<20000xi32, #tpu.memory_space<vmem>>, %arg6: memref<20000xf32, #tpu.memory_space<vmem>>, %arg7: memref<640xf32, #tpu.memory_space<vmem>>, %arg8: memref<16xf32, #tpu.memory_space<vmem>>, %arg9: memref<256xf32, #tpu.memory_space<vmem>>, %arg10: memref<10240xf32, #tpu.memory_space<vmem_shared>>, %arg11: memref<256xf32, #tpu.memory_space<vmem_shared>>, %arg12: memref<!tpu.dma_semaphore, #tpu.memory_space<semaphore_mem>>, %arg13: memref<!tpu.dma_semaphore, #tpu.memory_space<semaphore_mem>>) attributes {dimension_semantics = [#tpu.dimension_semantics<core_parallel>, #tpu.dimension_semantics<subcore_parallel>], iteration_bounds = array<i64: 2, 16>, scalar_prefetch = 0 : i64, scratch_operands = 9 : i64, tpu.core_type = #tpu.core_type<sc_vector_subcore>, window_params = [{transform_indices = #map}, {transform_indices = #map}, {transform_indices = #map}]} {
    %broadcast_in_dim3A = arith.constant 0.000000e+00 : f32
    %broadcast_in_dim3A_0 = vector.broadcast %broadcast_in_dim3A : f32 to vector<16xf32>
    %mul3A = arith.constant 20000 : i32
    %mul3A_1 = arith.muli %arg1, %mul3A : i32
    %dma_start3A = tpu.memref_slice %arg2[%mul3A_1] : memref<640000xi32, #tpu.memory_space<hbm>> -> memref<20000xi32, #tpu.memory_space<hbm>>
    %dma_start3A_2 = tpu.memref_slice %arg2[%mul3A_1] : memref<640000xi32, #tpu.memory_space<hbm>> -> memref<20000xi32, #tpu.memory_space<hbm>>
    tpu.enqueue_dma source(%dma_start3A_2 : memref<20000xi32, #tpu.memory_space<hbm>>) target(%arg5 : memref<20000xi32, #tpu.memory_space<vmem>>) target_semaphore(%arg12 : memref<!tpu.dma_semaphore, #tpu.memory_space<semaphore_mem>>)
    tpu.enqueue_dma source(%arg3 : memref<20000xf32, #tpu.memory_space<hbm>>) target(%arg6 : memref<20000xf32, #tpu.memory_space<vmem>>) target_semaphore(%arg13 : memref<!tpu.dma_semaphore, #tpu.memory_space<semaphore_mem>>)
    %scan3A = arith.constant 0 : i32
    %scan3A_3 = arith.constant 0 : i32
    %scan3A_4 = arith.constant 8 : i32
    %scan3A_5 = arith.addi %scan3A_3, %scan3A_4 : i32
    %scan3A_6 = arith.constant 1 : i32
    scf.for %scan3A_80 = %scan3A_3 to %scan3A_5 step %scan3A_6  : i32 {
      %mul3A_81 = arith.constant 5 : i32
      %mul3A_82 = arith.muli %scan3A_80, %mul3A_81 : i32
      %add3A = arith.constant 0 : i32
      %add3A_83 = arith.addi %mul3A_82, %add3A : i32
      %mul3A_84 = arith.constant 16 : i32
      %mul3A_85 = arith.muli %add3A_83, %mul3A_84 : i32
      %swap3A_86 = arith.index_cast %mul3A_85 : i32 to index
      %swap3A_87 = tpu.vector_load %arg7[%swap3A_86] {strides = array<i32>} : memref<640xf32, #tpu.memory_space<vmem>>, vector<16xf32>,
      %swap3A_88 = vector.shape_cast %swap3A_87 : vector<16xf32> to vector<16xf32>
      %swap3A_89 = vector.shape_cast %broadcast_in_dim3A_0 : vector<16xf32> to vector<16xf32>
      tpu.vector_store %arg7[%swap3A_86], %swap3A_89 {strides = array<i32>} : memref<640xf32, #tpu.memory_space<vmem>>, vector<16xf32>,
      %mul3A_90 = arith.constant 5 : i32
      %mul3A_91 = arith.muli %scan3A_80, %mul3A_90 : i32
      %add3A_92 = arith.constant 1 : i32
      %add3A_93 = arith.addi %mul3A_91, %add3A_92 : i32
      %mul3A_94 = arith.constant 16 : i32
      %mul3A_95 = arith.muli %add3A_93, %mul3A_94 : i32
      %swap3A_96 = arith.index_cast %mul3A_95 : i32 to index
      %swap3A_97 = tpu.vector_load %arg7[%swap3A_96] {strides = array<i32>} : memref<640xf32, #tpu.memory_space<vmem>>, vector<16xf32>,
      %swap3A_98 = vector.shape_cast %swap3A_97 : vector<16xf32> to vector<16xf32>
      %swap3A_99 = vector.shape_cast %broadcast_in_dim3A_0 : vector<16xf32> to vector<16xf32>
      tpu.vector_store %arg7[%swap3A_96], %swap3A_99 {strides = array<i32>} : memref<640xf32, #tpu.memory_space<vmem>>, vector<16xf32>,
      %mul3A_100 = arith.constant 5 : i32
      %mul3A_101 = arith.muli %scan3A_80, %mul3A_100 : i32
      %add3A_102 = arith.constant 2 : i32
      %add3A_103 = arith.addi %mul3A_101, %add3A_102 : i32
      %mul3A_104 = arith.constant 16 : i32
      %mul3A_105 = arith.muli %add3A_103, %mul3A_104 : i32
      %swap3A_106 = arith.index_cast %mul3A_105 : i32 to index
      %swap3A_107 = tpu.vector_load %arg7[%swap3A_106] {strides = array<i32>} : memref<640xf32, #tpu.memory_space<vmem>>, vector<16xf32>,
      %swap3A_108 = vector.shape_cast %swap3A_107 : vector<16xf32> to vector<16xf32>
      %swap3A_109 = vector.shape_cast %broadcast_in_dim3A_0 : vector<16xf32> to vector<16xf32>
      tpu.vector_store %arg7[%swap3A_106], %swap3A_109 {strides = array<i32>} : memref<640xf32, #tpu.memory_space<vmem>>, vector<16xf32>,
      %mul3A_110 = arith.constant 5 : i32
      %mul3A_111 = arith.muli %scan3A_80, %mul3A_110 : i32
      %add3A_112 = arith.constant 3 : i32
      %add3A_113 = arith.addi %mul3A_111, %add3A_112 : i32
      %mul3A_114 = arith.constant 16 : i32
      %mul3A_115 = arith.muli %add3A_113, %mul3A_114 : i32
      %swap3A_116 = arith.index_cast %mul3A_115 : i32 to index
      %swap3A_117 = tpu.vector_load %arg7[%swap3A_116] {strides = array<i32>} : memref<640xf32, #tpu.memory_space<vmem>>, vector<16xf32>,
      %swap3A_118 = vector.shape_cast %swap3A_117 : vector<16xf32> to vector<16xf32>
      %swap3A_119 = vector.shape_cast %broadcast_in_dim3A_0 : vector<16xf32> to vector<16xf32>
      tpu.vector_store %arg7[%swap3A_116], %swap3A_119 {strides = array<i32>} : memref<640xf32, #tpu.memory_space<vmem>>, vector<16xf32>,
      %mul3A_120 = arith.constant 5 : i32
      %mul3A_121 = arith.muli %scan3A_80, %mul3A_120 : i32
      %add3A_122 = arith.constant 4 : i32
      %add3A_123 = arith.addi %mul3A_121, %add3A_122 : i32
      %mul3A_124 = arith.constant 16 : i32
      %mul3A_125 = arith.muli %add3A_123, %mul3A_124 : i32
      %swap3A_126 = arith.index_cast %mul3A_125 : i32 to index
      %swap3A_127 = tpu.vector_load %arg7[%swap3A_126] {strides = array<i32>} : memref<640xf32, #tpu.memory_space<vmem>>, vector<16xf32>,
      %swap3A_128 = vector.shape_cast %swap3A_127 : vector<16xf32> to vector<16xf32>
      %swap3A_129 = vector.shape_cast %broadcast_in_dim3A_0 : vector<16xf32> to vector<16xf32>
      tpu.vector_store %arg7[%swap3A_126], %swap3A_129 {strides = array<i32>} : memref<640xf32, #tpu.memory_space<vmem>>, vector<16xf32>,
    }
    %scan3A_7 = arith.constant 8 : i32
    %mul3A_8 = arith.constant 640 : i32
    %mul3A_9 = arith.muli %arg1, %mul3A_8 : i32
    "tpu.region"() ({
      %run_scoped3A = tpu.sem_alloc : memref<!tpu.dma_semaphore, #tpu.memory_space<semaphore_mem>>
      %dma_start3A_80 = tpu.memref_slice %arg10[%mul3A_9] : memref<10240xf32, #tpu.memory_space<vmem_shared>> -> memref<640xf32, #tpu.memory_space<vmem_shared>>
      %dma_start3A_81 = tpu.memref_slice %arg10[%mul3A_9] : memref<10240xf32, #tpu.memory_space<vmem_shared>> -> memref<640xf32, #tpu.memory_space<vmem_shared>>
      tpu.enqueue_dma source(%arg7 : memref<640xf32, #tpu.memory_space<vmem>>) target(%dma_start3A_81 : memref<640xf32, #tpu.memory_space<vmem_shared>>) target_semaphore(%run_scoped3A : memref<!tpu.dma_semaphore, #tpu.memory_space<semaphore_mem>>)
      %dma_wait3A_82 = tpu.memref_slice %arg10[%mul3A_9] : memref<10240xf32, #tpu.memory_space<vmem_shared>> -> memref<640xf32, #tpu.memory_space<vmem_shared>>
      %dma_wait3A_83 = tpu.memref_slice %arg10[%mul3A_9] : memref<10240xf32, #tpu.memory_space<vmem_shared>> -> memref<640xf32, #tpu.memory_space<vmem_shared>>
      tpu.wait_dma2 semaphore(%run_scoped3A : memref<!tpu.dma_semaphore, #tpu.memory_space<semaphore_mem>>) src(%arg7 : memref<640xf32, #tpu.memory_space<vmem>>) dst(%dma_wait3A_83 : memref<640xf32, #tpu.memory_space<vmem_shared>>)
      tpu.yield
    }) : () -> ()
    %dma_wait3A = tpu.memref_slice %arg2[%mul3A_1] : memref<640000xi32, #tpu.memory_space<hbm>> -> memref<20000xi32, #tpu.memory_space<hbm>>
    %dma_wait3A_10 = tpu.memref_slice %arg2[%mul3A_1] : memref<640000xi32, #tpu.memory_space<hbm>> -> memref<20000xi32, #tpu.memory_space<hbm>>
    tpu.wait_dma2 semaphore(%arg12 : memref<!tpu.dma_semaphore, #tpu.memory_space<semaphore_mem>>) src(%dma_wait3A_10 : memref<20000xi32, #tpu.memory_space<hbm>>) dst(%arg5 : memref<20000xi32, #tpu.memory_space<vmem>>)
    tpu.wait_dma2 semaphore(%arg13 : memref<!tpu.dma_semaphore, #tpu.memory_space<semaphore_mem>>) src(%arg3 : memref<20000xf32, #tpu.memory_space<hbm>>) dst(%arg6 : memref<20000xf32, #tpu.memory_space<vmem>>)
    %barrier3A = arith.constant 0 : index
    tpu.barrier barrier_id(%barrier3A)
    "tpu.region"() ({
      %run_scoped3A = tpu.sem_alloc : memref<!tpu.dma_semaphore, #tpu.memory_space<semaphore_mem>>
      %dma_start3A_80 = arith.constant 0 : i32
      %dma_start3A_81 = tpu.memref_slice %arg10[%dma_start3A_80] : memref<10240xf32, #tpu.memory_space<vmem_shared>> -> memref<10240xf32, #tpu.memory_space<vmem_shared>>
      tpu.enqueue_indirect_dma source(%arg6 : memref<20000xf32, #tpu.memory_space<vmem>>) target(%dma_start3A_81 : memref<10240xf32, #tpu.memory_space<vmem_shared>>) offsets(%arg5 : memref<20000xi32, #tpu.memory_space<vmem>>) semaphore(%run_scoped3A : memref<!tpu.dma_semaphore, #tpu.memory_space<semaphore_mem>>) {add = true}
      %dma_wait3A_82 = arith.constant 0 : i32
      %dma_wait3A_83 = tpu.memref_slice %arg10[%dma_wait3A_82] : memref<10240xf32, #tpu.memory_space<vmem_shared>> -> memref<10240xf32, #tpu.memory_space<vmem_shared>>
      tpu.wait_indirect_dma semaphore(%run_scoped3A : memref<!tpu.dma_semaphore, #tpu.memory_space<semaphore_mem>>) src(%arg6 : memref<20000xf32, #tpu.memory_space<vmem>>) dst(%dma_wait3A_83 : memref<10240xf32, #tpu.memory_space<vmem_shared>>)
      tpu.yield
    }) : () -> ()
    %barrier3A_11 = arith.constant 0 : index
    tpu.barrier barrier_id(%barrier3A_11)
    %mul3A_12 = arith.constant 640 : i32
    %mul3A_13 = arith.muli %arg1, %mul3A_12 : i32
    "tpu.region"() ({
      %run_scoped3A = tpu.sem_alloc : memref<!tpu.dma_semaphore, #tpu.memory_space<semaphore_mem>>
      %dma_start3A_80 = tpu.memref_slice %arg10[%mul3A_13] : memref<10240xf32, #tpu.memory_space<vmem_shared>> -> memref<640xf32, #tpu.memory_space<vmem_shared>>
      %dma_start3A_81 = tpu.memref_slice %arg10[%mul3A_13] : memref<10240xf32, #tpu.memory_space<vmem_shared>> -> memref<640xf32, #tpu.memory_space<vmem_shared>>
      tpu.enqueue_dma source(%dma_start3A_81 : memref<640xf32, #tpu.memory_space<vmem_shared>>) target(%arg7 : memref<640xf32, #tpu.memory_space<vmem>>) target_semaphore(%run_scoped3A : memref<!tpu.dma_semaphore, #tpu.memory_space<semaphore_mem>>)
      %dma_wait3A_82 = tpu.memref_slice %arg10[%mul3A_13] : memref<10240xf32, #tpu.memory_space<vmem_shared>> -> memref<640xf32, #tpu.memory_space<vmem_shared>>
      %dma_wait3A_83 = tpu.memref_slice %arg10[%mul3A_13] : memref<10240xf32, #tpu.memory_space<vmem_shared>> -> memref<640xf32, #tpu.memory_space<vmem_shared>>
      tpu.wait_dma2 semaphore(%run_scoped3A : memref<!tpu.dma_semaphore, #tpu.memory_space<semaphore_mem>>) src(%dma_wait3A_83 : memref<640xf32, #tpu.memory_space<vmem_shared>>) dst(%arg7 : memref<640xf32, #tpu.memory_space<vmem>>)
      tpu.yield
    }) : () -> ()
    %iota3A = tpu.iota {dimensions = array<i32: 0>} : vector<16xi32>
    %broadcast_in_dim3A_14 = arith.constant 0.000000e+00 : f32
    %broadcast_in_dim3A_15 = vector.broadcast %broadcast_in_dim3A_14 : f32 to vector<16xf32>
    %scan3A_16 = arith.constant 0 : i32
    %scan3A_17 = arith.constant 40 : i32
    %scan3A_18 = arith.addi %scan3A_16, %scan3A_17 : i32
    %scan3A_19 = arith.constant 1 : i32
    %scan3A_20 = scf.for %scan3A_80 = %scan3A_16 to %scan3A_18 step %scan3A_19 iter_args(%scan3A_81 = %broadcast_in_dim3A_15) -> (vector<16xf32>)  : i32 {
      %mul3A_82 = arith.constant 16 : i32
      %mul3A_83 = arith.muli %scan3A_80, %mul3A_82 : i32
      %get3A = arith.index_cast %mul3A_83 : i32 to index
      %get3A_84 = tpu.vector_load %arg7[%get3A] {strides = array<i32>} : memref<640xf32, #tpu.memory_space<vmem>>, vector<16xf32>,
      %get3A_85 = vector.shape_cast %get3A_84 : vector<16xf32> to vector<16xf32>
      %mul3A_86 = arith.constant 640 : i32
      %mul3A_87 = arith.muli %arg1, %mul3A_86 : i32
      %mul3A_88 = arith.constant 16 : i32
      %mul3A_89 = arith.muli %scan3A_80, %mul3A_88 : i32
      %add3A = arith.addi %mul3A_87, %mul3A_89 : i32
      %add3A_90 = vector.broadcast %add3A : i32 to vector<16xi32>
      %add3A_91 = arith.addi %add3A_90, %iota3A : vector<16xi32>
      %lt3A_92 = arith.constant 10000 : i32
      %lt3A_93 = vector.broadcast %lt3A_92 : i32 to vector<16xi32>
      %lt3A_94 = arith.cmpi slt, %add3A_91, %lt3A_93 : vector<16xi32>
      %jit3A = arith.constant 0.000000e+00 : f32
      %broadcast_in_dim3A_95 = vector.broadcast %jit3A : f32 to vector<16xf32>
      %select_n3A = arith.select %lt3A_94, %get3A_85, %broadcast_in_dim3A_95 : vector<16xi1>, vector<16xf32>
      %max3A_96 = arith.maximumf %scan3A_81, %select_n3A : vector<16xf32>
      scf.yield %max3A_96 : vector<16xf32>
    }
    %scan3A_21 = arith.constant 40 : i32
    %swap3A = arith.constant 0 : index
    %swap3A_22 = tpu.vector_load %arg8[%swap3A] {strides = array<i32>} : memref<16xf32, #tpu.memory_space<vmem>>, vector<16xf32>,
    %swap3A_23 = vector.shape_cast %swap3A_22 : vector<16xf32> to vector<16xf32>
    %swap3A_24 = vector.shape_cast %scan3A_20 : vector<16xf32> to vector<16xf32>
    tpu.vector_store %arg8[%swap3A], %swap3A_24 {strides = array<i32>} : memref<16xf32, #tpu.memory_space<vmem>>, vector<16xf32>,
    %mul3A_25 = arith.constant 16 : i32
    %mul3A_26 = arith.muli %arg1, %mul3A_25 : i32
    "tpu.region"() ({
      %run_scoped3A = tpu.sem_alloc : memref<!tpu.dma_semaphore, #tpu.memory_space<semaphore_mem>>
      %dma_start3A_80 = tpu.memref_slice %arg11[%mul3A_26] : memref<256xf32, #tpu.memory_space<vmem_shared>> -> memref<16xf32, #tpu.memory_space<vmem_shared>>
      %dma_start3A_81 = tpu.memref_slice %arg11[%mul3A_26] : memref<256xf32, #tpu.memory_space<vmem_shared>> -> memref<16xf32, #tpu.memory_space<vmem_shared>>
      tpu.enqueue_dma source(%arg8 : memref<16xf32, #tpu.memory_space<vmem>>) target(%dma_start3A_81 : memref<16xf32, #tpu.memory_space<vmem_shared>>) target_semaphore(%run_scoped3A : memref<!tpu.dma_semaphore, #tpu.memory_space<semaphore_mem>>)
      %dma_wait3A_82 = tpu.memref_slice %arg11[%mul3A_26] : memref<256xf32, #tpu.memory_space<vmem_shared>> -> memref<16xf32, #tpu.memory_space<vmem_shared>>
      %dma_wait3A_83 = tpu.memref_slice %arg11[%mul3A_26] : memref<256xf32, #tpu.memory_space<vmem_shared>> -> memref<16xf32, #tpu.memory_space<vmem_shared>>
      tpu.wait_dma2 semaphore(%run_scoped3A : memref<!tpu.dma_semaphore, #tpu.memory_space<semaphore_mem>>) src(%arg8 : memref<16xf32, #tpu.memory_space<vmem>>) dst(%dma_wait3A_83 : memref<16xf32, #tpu.memory_space<vmem_shared>>)
      tpu.yield
    }) : () -> ()
    %barrier3A_27 = arith.constant 0 : index
    tpu.barrier barrier_id(%barrier3A_27)
    "tpu.region"() ({
      %run_scoped3A = tpu.sem_alloc : memref<!tpu.dma_semaphore, #tpu.memory_space<semaphore_mem>>
      tpu.enqueue_dma source(%arg11 : memref<256xf32, #tpu.memory_space<vmem_shared>>) target(%arg9 : memref<256xf32, #tpu.memory_space<vmem>>) target_semaphore(%run_scoped3A : memref<!tpu.dma_semaphore, #tpu.memory_space<semaphore_mem>>)
      tpu.wait_dma2 semaphore(%run_scoped3A : memref<!tpu.dma_semaphore, #tpu.memory_space<semaphore_mem>>) src(%arg11 : memref<256xf32, #tpu.memory_space<vmem_shared>>) dst(%arg9 : memref<256xf32, #tpu.memory_space<vmem>>)
      tpu.yield
    }) : () -> ()
    %broadcast_in_dim3A_28 = arith.constant 0.000000e+00 : f32
    %broadcast_in_dim3A_29 = vector.broadcast %broadcast_in_dim3A_28 : f32 to vector<16xf32>
    %scan3A_30 = arith.constant 0 : i32
    %scan3A_31 = arith.constant 16 : i32
    %scan3A_32 = arith.addi %scan3A_30, %scan3A_31 : i32
    %scan3A_33 = arith.constant 1 : i32
    %scan3A_34 = scf.for %scan3A_80 = %scan3A_30 to %scan3A_32 step %scan3A_33 iter_args(%scan3A_81 = %broadcast_in_dim3A_29) -> (vector<16xf32>)  : i32 {
      %mul3A_82 = arith.constant 16 : i32
      %mul3A_83 = arith.muli %scan3A_80, %mul3A_82 : i32
      %get3A = arith.index_cast %mul3A_83 : i32 to index
      %get3A_84 = tpu.vector_load %arg9[%get3A] {strides = array<i32>} : memref<256xf32, #tpu.memory_space<vmem>>, vector<16xf32>,
      %get3A_85 = vector.shape_cast %get3A_84 : vector<16xf32> to vector<16xf32>
      %max3A_86 = arith.maximumf %scan3A_81, %get3A_85 : vector<16xf32>
      scf.yield %max3A_86 : vector<16xf32>
    }
    %scan3A_35 = arith.constant 16 : i32
    %xor3A = arith.constant 1 : i32
    %xor3A_36 = vector.broadcast %xor3A : i32 to vector<16xi32>
    %xor3A_37 = arith.xori %iota3A, %xor3A_36 : vector<16xi32>
    %broadcast_in_dim3A_38 = vector.shape_cast %xor3A_37 : vector<16xi32> to vector<16x1xi32>
    %gather3A = vector.shape_cast %broadcast_in_dim3A_38 : vector<16x1xi32> to vector<16xi32>
    %gather3A_39 = tpu.dynamic_gather %scan3A_34[%gather3A] in [0] : vector<16xf32>, vector<16xi32> -> vector<16xf32>
    %max3A = arith.maximumf %scan3A_34, %gather3A_39 : vector<16xf32>
    %xor3A_40 = arith.constant 2 : i32
    %xor3A_41 = vector.broadcast %xor3A_40 : i32 to vector<16xi32>
    %xor3A_42 = arith.xori %iota3A, %xor3A_41 : vector<16xi32>
    %broadcast_in_dim3A_43 = vector.shape_cast %xor3A_42 : vector<16xi32> to vector<16x1xi32>
    %gather3A_44 = vector.shape_cast %broadcast_in_dim3A_43 : vector<16x1xi32> to vector<16xi32>
    %gather3A_45 = tpu.dynamic_gather %max3A[%gather3A_44] in [0] : vector<16xf32>, vector<16xi32> -> vector<16xf32>
    %max3A_46 = arith.maximumf %max3A, %gather3A_45 : vector<16xf32>
    %xor3A_47 = arith.constant 4 : i32
    %xor3A_48 = vector.broadcast %xor3A_47 : i32 to vector<16xi32>
    %xor3A_49 = arith.xori %iota3A, %xor3A_48 : vector<16xi32>
    %broadcast_in_dim3A_50 = vector.shape_cast %xor3A_49 : vector<16xi32> to vector<16x1xi32>
    %gather3A_51 = vector.shape_cast %broadcast_in_dim3A_50 : vector<16x1xi32> to vector<16xi32>
    %gather3A_52 = tpu.dynamic_gather %max3A_46[%gather3A_51] in [0] : vector<16xf32>, vector<16xi32> -> vector<16xf32>
    %max3A_53 = arith.maximumf %max3A_46, %gather3A_52 : vector<16xf32>
    %xor3A_54 = arith.constant 8 : i32
    %xor3A_55 = vector.broadcast %xor3A_54 : i32 to vector<16xi32>
    %xor3A_56 = arith.xori %iota3A, %xor3A_55 : vector<16xi32>
    %broadcast_in_dim3A_57 = vector.shape_cast %xor3A_56 : vector<16xi32> to vector<16x1xi32>
    %gather3A_58 = vector.shape_cast %broadcast_in_dim3A_57 : vector<16x1xi32> to vector<16xi32>
    %gather3A_59 = tpu.dynamic_gather %max3A_53[%gather3A_58] in [0] : vector<16xf32>, vector<16xi32> -> vector<16xf32>
    %max3A_60 = arith.maximumf %max3A_53, %gather3A_59 : vector<16xf32>
    %div3A = arith.constant 1.000000e+00 : f32
    %div3A_61 = vector.broadcast %div3A : f32 to vector<16xf32>
    %div3A_62 = arith.divf %div3A_61, %max3A_60 : vector<16xf32>
    %scan3A_63 = arith.constant 0 : i32
    %scan3A_64 = arith.constant 0 : i32
    %scan3A_65 = arith.constant 40 : i32
    %scan3A_66 = arith.addi %scan3A_64, %scan3A_65 : i32
    %scan3A_67 = arith.constant 1 : i32
    scf.for %scan3A_80 = %scan3A_64 to %scan3A_66 step %scan3A_67  : i32 {
      %mul3A_81 = arith.constant 16 : i32
      %mul3A_82 = arith.muli %scan3A_80, %mul3A_81 : i32
      %get3A = arith.index_cast %mul3A_82 : i32 to index
      %get3A_83 = tpu.vector_load %arg7[%get3A] {strides = array<i32>} : memref<640xf32, #tpu.memory_space<vmem>>, vector<16xf32>,
      %get3A_84 = vector.shape_cast %get3A_83 : vector<16xf32> to vector<16xf32>
      %mul3A_85 = arith.mulf %get3A_84, %div3A_62 : vector<16xf32>
      %mul3A_86 = arith.constant 16 : i32
      %mul3A_87 = arith.muli %scan3A_80, %mul3A_86 : i32
      %swap3A_88 = arith.index_cast %mul3A_87 : i32 to index
      %swap3A_89 = tpu.vector_load %arg7[%swap3A_88] {strides = array<i32>} : memref<640xf32, #tpu.memory_space<vmem>>, vector<16xf32>,
      %swap3A_90 = vector.shape_cast %swap3A_89 : vector<16xf32> to vector<16xf32>
      %swap3A_91 = vector.shape_cast %mul3A_85 : vector<16xf32> to vector<16xf32>
      tpu.vector_store %arg7[%swap3A_88], %swap3A_91 {strides = array<i32>} : memref<640xf32, #tpu.memory_space<vmem>>, vector<16xf32>,
    }
    %scan3A_68 = arith.constant 40 : i32
    %eq3A = arith.constant 0 : i32
    %eq3A_69 = arith.cmpi eq, %arg0, %eq3A : i32
    %lt3A = arith.constant 15 : i32
    %lt3A_70 = arith.cmpi slt, %arg1, %lt3A : i32
    %and3A = arith.andi %eq3A_69, %lt3A_70 : i1
    %convert_element_type3A = arith.extui %and3A : i1 to i32
    %cond3A = arith.constant 0 : i32
    %cond3A_71 = arith.cmpi ne, %convert_element_type3A, %cond3A : i32
    scf.if %cond3A_71 {
      %mul3A_80 = arith.constant 640 : i32
      %mul3A_81 = arith.muli %arg1, %mul3A_80 : i32
      "tpu.region"() ({
        %run_scoped3A = tpu.sem_alloc : memref<!tpu.dma_semaphore, #tpu.memory_space<semaphore_mem>>
        %dma_start3A_82 = tpu.memref_slice %arg4[%mul3A_81] : memref<10000xf32, #tpu.memory_space<hbm>> -> memref<640xf32, #tpu.memory_space<hbm>>
        %dma_start3A_83 = tpu.memref_slice %arg4[%mul3A_81] : memref<10000xf32, #tpu.memory_space<hbm>> -> memref<640xf32, #tpu.memory_space<hbm>>
        tpu.enqueue_dma source(%arg7 : memref<640xf32, #tpu.memory_space<vmem>>) target(%dma_start3A_83 : memref<640xf32, #tpu.memory_space<hbm>>) target_semaphore(%run_scoped3A : memref<!tpu.dma_semaphore, #tpu.memory_space<semaphore_mem>>)
        %dma_wait3A_84 = tpu.memref_slice %arg4[%mul3A_81] : memref<10000xf32, #tpu.memory_space<hbm>> -> memref<640xf32, #tpu.memory_space<hbm>>
        %dma_wait3A_85 = tpu.memref_slice %arg4[%mul3A_81] : memref<10000xf32, #tpu.memory_space<hbm>> -> memref<640xf32, #tpu.memory_space<hbm>>
        tpu.wait_dma2 semaphore(%run_scoped3A : memref<!tpu.dma_semaphore, #tpu.memory_space<semaphore_mem>>) src(%arg7 : memref<640xf32, #tpu.memory_space<vmem>>) dst(%dma_wait3A_85 : memref<640xf32, #tpu.memory_space<hbm>>)
        tpu.yield
      }) : () -> ()
    } else {
    }
    %eq3A_72 = arith.constant 0 : i32
    %eq3A_73 = arith.cmpi eq, %arg0, %eq3A_72 : i32
    %eq3A_74 = arith.constant 15 : i32
    %eq3A_75 = arith.cmpi eq, %arg1, %eq3A_74 : i32
    %and3A_76 = arith.andi %eq3A_73, %eq3A_75 : i1
    %convert_element_type3A_77 = arith.extui %and3A_76 : i1 to i32
    %cond3A_78 = arith.constant 0 : i32
    %cond3A_79 = arith.cmpi ne, %convert_element_type3A_77, %cond3A_78 : i32
    scf.if %cond3A_79 {
      "tpu.region"() ({
        %run_scoped3A = tpu.sem_alloc : memref<!tpu.dma_semaphore, #tpu.memory_space<semaphore_mem>>
        %dma_start3A_80 = arith.constant 0 : i32
        %dma_start3A_81 = tpu.memref_slice %arg7[%dma_start3A_80] : memref<640xf32, #tpu.memory_space<vmem>> -> memref<400xf32, #tpu.memory_space<vmem>>
        %dma_start3A_82 = arith.constant 9600 : i32
        %dma_start3A_83 = tpu.memref_slice %arg4[%dma_start3A_82] : memref<10000xf32, #tpu.memory_space<hbm>> -> memref<400xf32, #tpu.memory_space<hbm>>
        %dma_start3A_84 = arith.constant 9600 : i32
        %dma_start3A_85 = tpu.memref_slice %arg4[%dma_start3A_84] : memref<10000xf32, #tpu.memory_space<hbm>> -> memref<400xf32, #tpu.memory_space<hbm>>
        %dma_start3A_86 = arith.constant 0 : i32
        %dma_start3A_87 = tpu.memref_slice %arg7[%dma_start3A_86] : memref<640xf32, #tpu.memory_space<vmem>> -> memref<400xf32, #tpu.memory_space<vmem>>
        tpu.enqueue_dma source(%dma_start3A_87 : memref<400xf32, #tpu.memory_space<vmem>>) target(%dma_start3A_85 : memref<400xf32, #tpu.memory_space<hbm>>) target_semaphore(%run_scoped3A : memref<!tpu.dma_semaphore, #tpu.memory_space<semaphore_mem>>)
        %dma_wait3A_88 = arith.constant 0 : i32
        %dma_wait3A_89 = tpu.memref_slice %arg7[%dma_wait3A_88] : memref<640xf32, #tpu.memory_space<vmem>> -> memref<400xf32, #tpu.memory_space<vmem>>
        %dma_wait3A_90 = arith.constant 9600 : i32
        %dma_wait3A_91 = tpu.memref_slice %arg4[%dma_wait3A_90] : memref<10000xf32, #tpu.memory_space<hbm>> -> memref<400xf32, #tpu.memory_space<hbm>>
        %dma_wait3A_92 = arith.constant 9600 : i32
        %dma_wait3A_93 = tpu.memref_slice %arg4[%dma_wait3A_92] : memref<10000xf32, #tpu.memory_space<hbm>> -> memref<400xf32, #tpu.memory_space<hbm>>
        %dma_wait3A_94 = arith.constant 0 : i32
        %dma_wait3A_95 = tpu.memref_slice %arg7[%dma_wait3A_94] : memref<640xf32, #tpu.memory_space<vmem>> -> memref<400xf32, #tpu.memory_space<vmem>>
        tpu.wait_dma2 semaphore(%run_scoped3A : memref<!tpu.dma_semaphore, #tpu.memory_space<semaphore_mem>>) src(%dma_wait3A_95 : memref<400xf32, #tpu.memory_space<vmem>>) dst(%dma_wait3A_93 : memref<400xf32, #tpu.memory_space<hbm>>)
        tpu.yield
      }) : () -> ()
    } else {
    }
    return
  }
}

module attributes {stable_mosaic.version = 14 : i64} {
  func.func @cat_body(%arg0: i32, %arg1: memref<1000x128xf32, #tpu.memory_space<vmem>>, %arg2: memref<1000x1xf32, #tpu.memory_space<vmem>>, %arg3: memref<10000x129xf32, #tpu.memory_space<hbm>>, %arg4: memref<1000x129xf32, #tpu.memory_space<vmem>>, %arg5: memref<!tpu.dma_semaphore, #tpu.memory_space<semaphore_mem>>) attributes {dimension_semantics = [#tpu.dimension_semantics<arbitrary>], iteration_bounds = array<i64: 10>, scalar_prefetch = 0 : i64, scratch_operands = 2 : i64, tpu.core_type = #tpu.core_type<tc>, window_params = [{transform_indices = @transform_0, window_bounds = array<i64: 1000, 128>}, {transform_indices = @transform_1, window_bounds = array<i64: 1000, 1>}, {}]} {
    %get3A = arith.constant 0 : index
    %get3A_0 = arith.constant 0 : index
    %get3A_1 = vector.load %arg1[%get3A, %get3A_0] : memref<1000x128xf32, #tpu.memory_space<vmem>>, vector<1000x128xf32>
    %swap3A = arith.constant 0 : index
    %swap3A_2 = arith.constant 0 : index
    %swap3A_3 = vector.load %arg4[%swap3A, %swap3A_2] : memref<1000x129xf32, #tpu.memory_space<vmem>>, vector<1000x128xf32>
    tpu.vector_store %arg4[%swap3A, %swap3A_2], %get3A_1 {strides = array<i32>} : memref<1000x129xf32, #tpu.memory_space<vmem>>, vector<1000x128xf32>,
    %get3A_4 = arith.constant 0 : index
    %get3A_5 = arith.constant 0 : index
    %get3A_6 = vector.load %arg2[%get3A_4, %get3A_5] : memref<1000x1xf32, #tpu.memory_space<vmem>>, vector<1000x1xf32>
    %swap3A_7 = arith.constant 0 : index
    %swap3A_8 = arith.constant 128 : index
    %swap3A_9 = vector.load %arg4[%swap3A_7, %swap3A_8] : memref<1000x129xf32, #tpu.memory_space<vmem>>, vector<1000x1xf32>
    tpu.vector_store %arg4[%swap3A_7, %swap3A_8], %get3A_6 {strides = array<i32>} : memref<1000x129xf32, #tpu.memory_space<vmem>>, vector<1000x1xf32>,
    %mul3A = arith.constant 1000 : i32
    %mul3A_10 = arith.muli %arg0, %mul3A : i32
    %dma_start3A = arith.constant 0 : i32
    %dma_start3A_11 = tpu.memref_slice %arg3[%mul3A_10, %dma_start3A] : memref<10000x129xf32, #tpu.memory_space<hbm>> -> memref<1000x129xf32, #tpu.memory_space<hbm>>
    tpu.enqueue_dma source(%arg4 : memref<1000x129xf32, #tpu.memory_space<vmem>>) target(%dma_start3A_11 : memref<1000x129xf32, #tpu.memory_space<hbm>>) target_semaphore(%arg5 : memref<!tpu.dma_semaphore, #tpu.memory_space<semaphore_mem>>)
    %dma_wait3A = arith.constant 0 : i32
    %dma_wait3A_12 = tpu.memref_slice %arg3[%mul3A_10, %dma_wait3A] : memref<10000x129xf32, #tpu.memory_space<hbm>> -> memref<1000x129xf32, #tpu.memory_space<hbm>>
    tpu.wait_dma2 semaphore(%arg5 : memref<!tpu.dma_semaphore, #tpu.memory_space<semaphore_mem>>) src(%arg4 : memref<1000x129xf32, #tpu.memory_space<vmem>>) dst(%dma_wait3A_12 : memref<1000x129xf32, #tpu.memory_space<hbm>>)
    return
  }
  func.func @transform_0(%arg0: i32) -> (i32, i32) {
    %c0_i32 = arith.constant 0 : i32
    %c0_i32_0 = arith.constant 0 : i32
    return %arg0, %c0_i32 : i32, i32
  }
  func.func @transform_1(%arg0: i32) -> (i32, i32) {
    %c0_i32 = arith.constant 0 : i32
    %c0_i32_0 = arith.constant 0 : i32
    return %arg0, %c0_i32 : i32, i32
  }
}

</mosaic_0001>

<sc_bundles>
// kernel: kernel.4.cloned.1.call-start
scs
__scs_entry_jumppad:
0x0: {  	(pc) =	sbr.rel $0x88, $3  }
0x1: {  	(tag) =	ssettag $0x0;
	lr =	simm.s32 $0x1  }
0x2: {  	[smem:$0x3F9F] =	sst lr;
	_ =	strace $0xD0000000  }
0x3: {  	_ = 	snop  }
0x4: {  	_ = 	snop  }
0x5: {  	_ = 	snop  }
0x6: {  	_ = 	snop  }
0x7: {  	_ = 	snop  }
__scs_overlays_trampoline_lowered:
0x8: {  	[smem:$0x3FAE] =	sst s0  }
0x9: {  	[smem:$0x3FAF] =	sst s1  }
0xa: {  	[smem:$0x3FB0] =	sst s2  }
0xb: {  	[smem:$0x3FB1] =	sst s3  }
0xc: {  	[smem:$0x3FB2] =	sst s4  }
0xd: {  	[smem:$0x3FB3] =	sst s5  }
0xe: {  	[smem:$0x3FB4] =	sst s6  }
0xf: {  	[smem:$0x3FB5] =	sst s7  }
0x10: {  	[smem:$0x3FB6] =	sst s8  }
0x11: {  	[smem:$0x3FB7] =	sst s9;
	s0 =	simm.s32 @!p0 $0x0  }
0x12: {  	s1 =	sld [smem:$0x3F9D];
	s0 =	simm.s32 @p0 $0x1  }
0x13: {  	[smem:$0x3FB8] =	sst s0;
	s0 =	simm.s32 @!p1 $0x0  }
0x14: {  	s2 =	sld [smem:$0x3F9C];
	s0 =	simm.s32 @p1 $0x1  }
0x15: {  	[smem:$0x3FB9] =	sst s0;
	s0 =	simm.s32 @!p2 $0x0  }
0x16: {  	s3 =	sld [smem:$0x3FDB];
	s0 =	simm.s32 @p2 $0x1  }
0x17: {  	s4 =	simm.s32 $0x1BF5;
	[smem:$0x3FBB] =	sst s0  }
0x18: {  	s0 =	sld [smem:$0x3F9E];
	_ =	swait.ge [sflag:s4], $0x0  }
0x19: {  	s7 =	sld [smem:$0x3F9F]  }
0x1a: {  	s8 =	sadd.s32 $0xFFFFE003, lr  }
0x1b: {  	s9 =	sadd.s32 $0xFFFFFEF7, lr;
	s5 =	simm.s32 $0xFFFFFFFF;
	p2 =	slt.u32 s8, $0xFFFFF086  }
0x1c: {  	p1 =	slt.u32 s9, $0xF7A;
	s5 =	simm.s32 @!p2 $0x0  }
0x1d: {  	s5 =	simm.s32 @p1 $0x1;
	p0 =	seq.s32 s7, s2  }
0x1e: {  	s7 =	smul.u32 @!p0 $0xF7A, s2;
	p2 =	seq.s32 @!p0 s5, $0x0  }
0x1f: {  	s9 =	smul.u32 $0xF7A, s1;
	s8 =	simm.s32 @!p0 $0x1BF5;
	p2 =	por !p2, p0  }
0x20: {  	[sflag:s8] =	ssyncset.s32 @!p0 $0xFFFFF086;
	s6 =	sadd.s32 @!p0 s3, s7;
	s7 =	simm.s32 @!p0 $0x108  }
0x21: {  	s3 =	sadd.s32 s3, s9;
	s6 =	sadd.s32 @!p0 $0x88, s6;
	s7 =	simm.s32 @p2 $0x1082  }
0x22: {  	[simem:s7], [sflag:s8] =	dma.local @!p0 [hbm:s6], $0xF7A  }
0x23: {  	s9 =	sor.u32 $0xD0000000, s2;
	s6 =	simm.s32 $0x108;
	_ =	swait.ge @!p0 [sflag:s8], $0x0  }
0x24: {  	s3 =	sadd.s32 $0x88, s3;
	s6 =	simm.s32 @!p1 $0x1082;
	[sflag:s4] =	ssyncset.s32 $0xFFFFF086  }
0x25: {  	[simem:s6], [sflag:s4] =	dma.local [hbm:s3], $0xF7A  }
0x26: {  	[smem:$0x3F9F] =	sst s1;
	(tag) =	ssettag s2;
	_ =	strace s9  }
0x27: {  	s1 =	sld [smem:$0x3FAF]  }
0x28: {  	s2 =	sld [smem:$0x3FB0]  }
0x29: {  	s4 =	sld [smem:$0x3FB2]  }
0x2a: {  	p0 =	seq.s32 s5, $0x0;
	s5 =	sld [smem:$0x3FB3]  }
0x2b: {  	s6 =	sld [smem:$0x3FB4]  }
0x2c: {  	s7 =	sld [smem:$0x3FB5]  }
0x2d: {  	s3 =	simm.s32 $0x108;
	s8 =	sld [smem:$0x3FB6]  }
0x2e: {  	s3 =	simm.s32 @!p0 $0x1082;
	s9 =	sld [smem:$0x3FB7]  }
0x2f: {  	lr =	sadd.s32 s0, s3;
	s0 =	sld [smem:$0x3FAE]  }
0x30: {  	s3 =	sld [smem:$0x3FB1]  }
0x31: {  	[smem:$0x3FBA] =	sst s10  }
0x32: {  	s10 =	sld [smem:$0x3FB8];
	_ =	sdelay $0x3  }
0x33: {  	p0 =	seq.s32 s10, $0x1;
	s10 =	sld [smem:$0x3FBA];
	_ =	sdelay $0x3  }
0x34: {  	[smem:$0x3FBA] =	sst s10  }
0x35: {  	s10 =	sld [smem:$0x3FB9];
	_ =	sdelay $0x3  }
0x36: {  	p1 =	seq.s32 s10, $0x1;
	s10 =	sld [smem:$0x3FBA];
	_ =	sdelay $0x3  }
0x37: {  	[smem:$0x3FBA] =	sst s10  }
0x38: {  	s10 =	sld [smem:$0x3FBB]  }
0x39: {  	_ = 	snop;
	(pc) =	sbr.ind lr, $3  }
0x3a: {  	_ = 	snop  }
0x3b: {  	_ = 	snop  }
0x3c: {  	p2 =	seq.s32 s10, $0x1;
	s10 =	sld [smem:$0x3FBA]  }
0x3d: {  	_ =	shalt  }
0x3e: {  	_ =	shalt  }
0x3f: {  	_ =	shalt  }
0x40: {  	_ =	shalt  }
0x41: {  	_ =	shalt  }
0x42: {  	_ =	shalt  }
0x43: {  	_ =	shalt  }
0x44: {  	_ =	shalt  }
0x45: {  	_ =	shalt  }
0x46: {  	_ =	shalt  }
0x47: {  	_ =	shalt  }
0x48: {  	_ =	shalt  }
0x49: {  	_ =	shalt  }
0x4a: {  	_ =	shalt  }
0x4b: {  	_ =	shalt  }
0x4c: {  	_ =	shalt  }
0x4d: {  	_ =	shalt  }
0x4e: {  	_ =	shalt  }
0x4f: {  	_ =	shalt  }
0x50: {  	_ =	shalt  }
0x51: {  	_ =	shalt  }
0x52: {  	_ =	shalt  }
0x53: {  	_ =	shalt  }
0x54: {  	_ =	shalt  }
0x55: {  	_ =	shalt  }
0x56: {  	_ =	shalt  }
0x57: {  	_ =	shalt  }
0x58: {  	_ =	shalt  }
0x59: {  	_ =	shalt  }
0x5a: {  	_ =	shalt  }
0x5b: {  	_ =	shalt  }
0x5c: {  	_ =	shalt  }
0x5d: {  	_ =	shalt  }
0x5e: {  	_ =	shalt  }
0x5f: {  	_ =	shalt  }
0x60: {  	_ =	shalt  }
0x61: {  	_ =	shalt  }
0x62: {  	_ =	shalt  }
0x63: {  	_ =	shalt  }
0x64: {  	_ =	shalt  }
0x65: {  	_ =	shalt  }
0x66: {  	_ =	shalt  }
0x67: {  	_ =	shalt  }
0x68: {  	_ =	shalt  }
0x69: {  	_ =	shalt  }
0x6a: {  	_ =	shalt  }
0x6b: {  	_ =	shalt  }
0x6c: {  	_ =	shalt  }
0x6d: {  	_ =	shalt  }
0x6e: {  	_ =	shalt  }
0x6f: {  	_ =	shalt  }
0x70: {  	_ =	shalt  }
0x71: {  	_ =	shalt  }
0x72: {  	_ =	shalt  }
0x73: {  	_ =	shalt  }
0x74: {  	_ =	shalt  }
0x75: {  	_ =	shalt  }
0x76: {  	_ =	shalt  }
0x77: {  	_ =	shalt  }
0x78: {  	_ =	shalt  }
0x79: {  	_ =	shalt  }
0x7a: {  	_ =	shalt  }
0x7b: {  	_ =	shalt  }
0x7c: {  	_ =	shalt  }
0x7d: {  	_ =	shalt  }
0x7e: {  	_ =	shalt  }
0x7f: {  	_ =	shalt  }
0x80: {  	_ =	shalt  }
0x81: {  	_ =	shalt  }
0x82: {  	_ =	shalt  }
0x83: {  	_ =	shalt  }
0x84: {  	_ =	shalt  }
0x85: {  	_ =	shalt  }
0x86: {  	_ =	shalt  }
0x87: {  	_ =	shalt  }
.Lfunc_end0:
.L_simem_size_0:
called_computation_lowered:
.L_overlay_start_0:
0x88: {  	s2 =	sld [smem:$0x3FD9]  }
0x89: {  	s3 =	sld [smem:$0x3FFE];
	_ =	sdelay $0x1  }
0x8a: {  	s1 =	srdreg.scid  }
0x8b: {  	s0 =	sand.u32 $0x1, s1  }
0x8c: {  	s17 =	sshll.u32 s0, $0xA;
	s2 =	sadd.s32 s3, s2  }
0x8d: {  	s2 =	sadd.s32 s2, s17  }
0x8e: {  	[smem:$0x3FC6] =	sst s2  }
0x8f: {  	_ = 	snop  }
0x90: {  	s2 =	sld [smem:$0x3FD0];
	(tm) =	ssettm $0x1  }
0x91: {  	s18 =	sld [smem:$0x3FFB];
	_ =	sdelay $0x3  }
0x92: {  	_ =	strace s18  }
0x93: {  	s3 =	sld [smem:$0x3FFC];
	_ =	sdelay $0x3  }
0x94: {  	_ =	strace s3  }
0x95: {  	s3 =	sld [smem:$0x3FFD];
	_ =	sdelay $0x3  }
0x96: {  	_ =	strace s3  }
0x97: {  	_ =	strace $0x8FFFFFFF  }
0x98: {  	s19 =	sld [smem:$0x3FDB];
	_ =	sdelay $0x1  }
0x99: {  	s4 =	simm.s32 $_scs_section_size  }
0x9a: {  	s5 =	simm.s32 $_size__tile_overlayer_lowered;
	s6 =	simm.s32 $_tile_overlayer_lowered  }
0x9b: {  	s22 =	simm.s32 $0x1BFF;
	s21 =	sshll.u32 s6, $0x1;
	s3 =	sadd.s32 s4, s19  }
0x9c: {  	s7 =	simm.s32 $0x0;
	s20 =	sshll.u32 s5, $0x1;
	s5 =	sadd.s32 s21, s3  }
0x9d: {  	[timem:s7], [sflag:s22] =	dma.local [hbm:s5], s20  }
0x9e: {  	_ =	swait.ge [sflag:s22], s20  }
0x9f: {  	s4 =	ssub.s32 $0x0, s20;
	[sflag:s22] =	ssyncset.done $0x0  }
0xa0: {  	[sflag:s22] =	ssyncadd.s32 s4;
	_ =	sdelay $0x1  }
0xa1: {  	s23 =	simm.s32 $0x1B8B  }
0xa2: {  	_ =	swait.ge [sflag:s23], $0x1  }
0xa3: {  	[sflag:s23] =	ssyncset.done $0x0  }
0xa4: {  	s25 =	simm.s32 $0x1B8E;
	s24 =	sld [smem:$0x3FFE];
	[sflag:s23] =	ssyncadd.s32 $0xFFFFFFFF  }
0xa5: {  	s26 =	simm.s32 $execute0_lowered;
	[smem:$0x3FD2] =	sst s25  }
0xa6: {  	s5 =	sshll.u32 s26, $0x1;
	_ =	strace $0x80000046;
	[dreg:$0x1] =	wrdreg $0xFFFFFFFF  }
0xa7: {  	s28 =	simm.s32 $_size_execute0_lowered;
	s3 =	sadd.s32 s3, s5;
	[dreg:$0x0] =	wrdreg $0x0  }
0xa8: {  	s5 =	sshll.u32 s28, $0x1;
	[dreg:$0x2] =	wrdreg s3  }
0xa9: {  	[dreg:$0x3] =	wrdreg s5  }
0xaa: {  	[dreg:$0x4] =	wrdreg $0xC0  }
0xab: {  	_ =	task [dreg:s7], $0x5FFFF  }
0xac: {  	[dreg:$0x1] =	wrdreg $0xFFFFFFFF  }
0xad: {  	[dreg:$0x0] =	wrdreg $0x60  }
0xae: {  	[dreg:$0x2] =	wrdreg s2  }
0xaf: {  	[dreg:$0x3] =	wrdreg s24  }
0xb0: {  	[dreg:$0x4] =	wrdreg $0xA1000  }
0xb1: {  	[dreg:$0x5] =	wrdreg $0xA3800  }
0xb2: {  	[dreg:$0x6] =	wrdreg $0x9  }
0xb3: {  	_ =	task.clear_ibuf [dreg:s7], $0x7FFFF;
	_ =	strace $0x90000046  }
0xb4: {  	s29 =	simm.s32 $0x9;
	_ =	strace $0x80000048  }
0xb5: {  	_ =	swait.ge [sflag:s29], $0x1  }
0xb6: {  	[sflag:s29] =	ssyncadd.s32 $0xFFFFFFFF  }
0xb7: {  	_ =	strace $0x90000048  }
0xb8: {  	_ =	sfence  }
0xb9: {  	s30 =	sld [smem:$0x0];
	_ =	sdelay $0x2  }
0xba: {  	s31 =	sshll.u32 s1, $0xD;
	s1 =	sshrl.u32 s1, $0x2  }
0xbb: {  	s3 =	sand.u32 $0x4000, s31;
	s1 =	sadd.s32 s1, s30  }
0xbc: {  	s0 =	sor.u32 s3, s0;
	s1 =	sshll.u32 s1, $0x11  }
0xbd: {  	s0 =	sor.u32 s1, s0  }
0xbe: {  	s0 =	sadd.s32 $0x8F2B, s0  }
0xbf: {  	[sflag:s0] =	ssyncadd.remote.s32 $0x1  }
0xc0: {  	_ =	sfence.sel $0xFFFF  }
0xc1: {  	[dreg:$0x0] =	wrdreg $0xFFFFFFFF;
	(pc) =	sbr.abs _section_cstart, $3  }
0xc2: {  	[dreg:$0x1] =	wrdreg $0xFFFFFFFF  }
0xc3: {  	_ =	task.clear_ibuf [dreg:s7], $0x2FFFF;
	_ =	strace $0x9FFFFFFF  }
0xc4: {  	(tm) =	ssettm $0x7FFFFFFF  }
0xc5: {  	_ =	shalt  }
tec
execute0_lowered:
.L_overlay_start_1:
0x0: {  	(tag) =	ssettag $0x1  }
0x1: {  	s7 =	rddreg [dreg:$0x0]  }
0x2: {  	s10 =	rddreg [dreg:$0x1]  }
0x3: {  	s2 =	rddreg [dreg:$0x2]  }
0x4: {  	s3 =	rddreg [dreg:$0x3]  }
0x5: {  	s0 =	rddreg [dreg:$0x4];
	s4 =	simm.s32 $0x0;
	s1 =	stileid.u32  }
0x6: {  	s6 =	srdreg.scid;
	s14 =	simm.s32 $0x9D00;
	s15 =	simm.s32 $0x3  }
0x7: {  	v0 =	vimm.s32 $0xEFCDAB89;
	v1 =	vimm.s32 $0x67452301;
	s16 =	simm.s32 $0x1;
	s17 =	simm.s32 $0x2;
	s18 =	simm.s32 $0x4E20  }
0x8: {  	v2 =	vimm.s32 $0xDCFE98BA;
	v3 =	vimm.s32 $0x54761032;
	s19 =	simm.s32 $0x9F80;
	s20 =	simm.s32 $0xA000;
	s21 =	simm.s32 $0x0  }
0x9: {  	v4 =	vimm.s32 $0xBA98FEDC;
	v5 =	vimm.s32 $0xFEDCBA98;
	[smem:$0x7FF] =	sst s4;
	s5 =	smul.u32 $0x280, s1;
	s9 =	sand.u32 $0x1, s6  }
0xa: {  	v6 =	vimm.s32 $0x32107654;
	v7 =	vimm.s32 $0x76543210;
	v0 =	vunpack.c.l.s4.s8 v0;
	s13 =	smul.u32 $0x9C4, s1;
	s6 =	sadd.s32 $0xC00, s10;
	s31 =	sshll.u32 s1, $0x4  }
0xb: {  	v1 =	vunpack.c.l.s4.s8 v1;
	v2 =	vunpack.c.l.s4.s8 v2;
	p1 =	sne.s32 s1, $0xF;
	p2 =	seq.s32 s1, $0xF;
	v3 =	vunpack.c.l.s4.s8 v3;
	_ =	strace $0x80000047  }
0xc: {  	v5 =	vunpack.c.l.s4.s8 v5;
	v4 =	vunpack.c.l.s4.s8 v4;
	v6 =	vunpack.c.l.s4.s8 v6;
	s8 =	ssub.s32 $0x2, s9;
	p0 =	seq.s32 s9, $0x0;
	s9 =	sadd.s32 s31, s3  }
0xd: {  	v7 =	vunpack.c.l.s4.s8 v7;
	s11 =	sshrl.u32 s5, $0x3;
	s12 =	sshrl.u32 s8, $0x1;
	v0 =	vunpack.c.0.s8.s32 v0;
	s7 =	sadd.s32 s7, s13;
	v1 =	vunpack.c.0.s8.s32 v1  }
0xe: {  	p1 =	por !p0, !p1;
	p2 =	por !p0, !p2;
	s13 =	simm.s32 $0x4E80;
	v2 =	vunpack.c.0.s8.s32 v2;
	v3 =	vunpack.c.0.s8.s32 v3;
	v5 =	vunpack.c.0.s8.s32 v5  }
0xf: {  	v4 =	vunpack.c.0.s8.s32 v4;
	v6 =	vunpack.c.0.s8.s32 v6;
	v7 =	vunpack.c.0.s8.s32 v7;
	s11 =	sadd.s32 s11, s10;
	s12 =	ssub.s32 s8, s12;
	s8 =	sadd.s32 s5, s2  }
0x10: {  	p0 =	por !p1, !p1;
	p6 =	por !p2, !p2;
	s10 =	sadd.s32 $0x1AB0, s10;
	v0 =	vcombine.low v1, v0;
	v1 =	vcombine.low v3, v2;
	v3 =	vand.u32 $0xF, v5  }
0x11: {  	s11 =	sadd.s32 $0x1600, s11;
	s12 =	smax.u32 s12, $0x1;
	v2 =	vcombine.low v6, v4;
	p1 =	por !p6, p0;
	v3 =	vcombine.low v3, v7  }
.LBB2_1:
0x12: {  	[tilespmem:s4], [sflag:$0x1] =	stream.linear.gather [hbm4b:s7+s4], $0x4E20, $0x38;
	[tilespmem:$0xA390] =	vst v63  }
0x13: {  	_ = 	snop  }
0x14: {  	v4 =	vimm.f32 $0.0e+00;
	[tilespmem:s13], [sflag:$0x2] =	stream.linear.gather [hbm4b:s6+s4], $0x4E80, $0x38;
	[tilespmem:$0xA390] =	vst v63  }
0x15: {  	[tilespmem:$0x9D00] =	vst v4  }
0x16: {  	[tilespmem:$0x9D10] =	vst v4  }
0x17: {  	[tilespmem:$0x9D20] =	vst v4  }
0x18: {  	[tilespmem:$0x9D30] =	vst v4  }
0x19: {  	[tilespmem:$0x9D40] =	vst v4  }
0x1a: {  	[tilespmem:$0x9D50] =	vst v4  }
0x1b: {  	[tilespmem:$0x9D60] =	vst v4  }
0x1c: {  	[tilespmem:$0x9D70] =	vst v4  }
0x1d: {  	[tilespmem:$0x9D80] =	vst v4  }
0x1e: {  	[tilespmem:$0x9D90] =	vst v4  }
0x1f: {  	[tilespmem:$0x9DA0] =	vst v4  }
0x20: {  	[tilespmem:$0x9DB0] =	vst v4  }
0x21: {  	[tilespmem:$0x9DC0] =	vst v4  }
0x22: {  	[tilespmem:$0x9DD0] =	vst v4  }
0x23: {  	[tilespmem:$0x9DE0] =	vst v4  }
0x24: {  	[tilespmem:$0x9DF0] =	vst v4  }
0x25: {  	[tilespmem:$0x9E00] =	vst v4  }
0x26: {  	[tilespmem:$0x9E10] =	vst v4  }
0x27: {  	[tilespmem:$0x9E20] =	vst v4  }
0x28: {  	[tilespmem:$0x9E30] =	vst v4  }
0x29: {  	[tilespmem:$0x9E40] =	vst v4  }
0x2a: {  	[tilespmem:$0x9E50] =	vst v4  }
0x2b: {  	[tilespmem:$0x9E60] =	vst v4  }
0x2c: {  	[tilespmem:$0x9E70] =	vst v4  }
0x2d: {  	[tilespmem:$0x9E80] =	vst v4  }
0x2e: {  	[tilespmem:$0x9E90] =	vst v4  }
0x2f: {  	[tilespmem:$0x9EA0] =	vst v4  }
0x30: {  	[tilespmem:$0x9EB0] =	vst v4  }
0x31: {  	[tilespmem:$0x9EC0] =	vst v4  }
0x32: {  	[tilespmem:$0x9ED0] =	vst v4  }
0x33: {  	[tilespmem:$0x9EE0] =	vst v4  }
0x34: {  	[tilespmem:$0x9EF0] =	vst v4  }
0x35: {  	[tilespmem:$0x9F00] =	vst v4  }
0x36: {  	[tilespmem:$0x9F10] =	vst v4  }
0x37: {  	[tilespmem:$0x9F20] =	vst v4  }
0x38: {  	[tilespmem:$0x9F30] =	vst v4  }
0x39: {  	[tilespmem:$0x9F40] =	vst v4  }
0x3a: {  	[tilespmem:$0x9F50] =	vst v4  }
0x3b: {  	[tilespmem:$0x9F60] =	vst v4  }
0x3c: {  	[tilespmem:$0x9F70] =	vst v4  }
0x3d: {  	[spmem:s8] =	stream.linear.scatter [tilespmem:s14], [sflag:$0x3], $0x280, $0x38;
	[tilespmem:$0xA390] =	vst v63  }
0x3e: {  	_ =	swait.ge [sflag:s15], $0x280  }
0x3f: {  	[sflag:s15] =	ssyncset.done $0x0  }
0x40: {  	[sflag:s15] =	ssyncadd.s32 $0xFFFFFD80  }
0x41: {  	_ =	swait.ge [sflag:s16], $0x4E20  }
0x42: {  	[sflag:s16] =	ssyncset.done $0x0  }
0x43: {  	[sflag:s16] =	ssyncadd.s32 $0xFFFFB1E0  }
0x44: {  	_ =	swait.ge [sflag:s17], $0x4E80  }
0x45: {  	[sflag:s17] =	ssyncset.done $0x0  }
0x46: {  	[sflag:s17] =	ssyncadd.s32 $0xFFFFB180  }
0x47: {  	[bflag:$0x0] =	sbarrier.arrive $0xFFFF  }
0x48: {  	[spmem:s2] =	stream.indirect.scatter.add.f32 [tilespmem:s13], [sflag:$0x3], $0x1, s4, s18, $0xb8;
	[tilespmem:$0xA390] =	vst v63  }
0x49: {  	_ =	swait.ge [sflag:s15], $0x4E20  }
0x4a: {  	[sflag:s15] =	ssyncset.done $0x0  }
0x4b: {  	[sflag:s15] =	ssyncadd.s32 $0xFFFFB1E0  }
0x4c: {  	[bflag:$0x0] =	sbarrier.arrive $0xFFFF  }
0x4d: {  	[tilespmem:s14], [sflag:$0x3] =	stream.linear.gather [spmem:s8], $0x280, $0x38;
	[tilespmem:$0xA390] =	vst v63  }
0x4e: {  	_ =	swait.ge [sflag:s15], $0x280  }
0x4f: {  	[sflag:s15] =	ssyncset.done $0x0  }
0x50: {  	s23 =	simm.s32 $0x0;
	[sflag:s15] =	ssyncadd.s32 $0xFFFFFD80  }
0x51: {  	v5 =	vld [tilespmem:s23+$0x9D00];
	_ =	sdelay $0x3  }
0x52: {  	s22 =	simm.s32 $0x40;
	p2 =	slt.u32 s5, $0x2710;
	s23 =	smov.u32 s5  }
.LBB2_2:
0x53: {  	s24 =	sshra.s32 s22, $0x2;
	p3 =	sne.s32 s22, $0x9C0;
	s22 =	sadd.s32 $0x40, s22;
	v6 =	vpsel !p2, $0x0, v5  }
.Ltmp0:
0x54: {  	v5 =	vld [tilespmem:s24+$0x9D00];
	v4 =	vmax.f32 v4, v6;
	(pc) =	sbr.rel @p3 .LBB2_2-.Ltmp0, $3  }
0x55: {  	_ =	sdelay $0x1  }
0x56: {  	s23 =	sadd.s32 $0x10, s23  }
0x57: {  	p2 =	slt.u32 s23, $0x2710  }
0x58: {  	v5 =	vpsel !p2, $0x0, v5  }
0x59: {  	v4 =	vmax.f32 v4, v5  }
0x5a: {  	[tilespmem:$0x9F80] =	vst v4  }
0x5b: {  	[spmem:s9] =	stream.linear.scatter [tilespmem:s19], [sflag:$0x3], $0x10, $0x38;
	[tilespmem:$0xA390] =	vst v63  }
0x5c: {  	_ =	swait.ge [sflag:s15], $0x10  }
0x5d: {  	[sflag:s15] =	ssyncset.done $0x0  }
0x5e: {  	[sflag:s15] =	ssyncadd.s32 $0xFFFFFFF0  }
0x5f: {  	[bflag:$0x0] =	sbarrier.arrive $0xFFFF  }
0x60: {  	[tilespmem:s20], [sflag:$0x3] =	stream.linear.gather [spmem:s3], $0x100, $0x38;
	[tilespmem:$0xA390] =	vst v63  }
0x61: {  	_ =	swait.ge [sflag:s15], $0x100  }
0x62: {  	[sflag:s15] =	ssyncset.done $0x0  }
0x63: {  	[sflag:s15] =	ssyncadd.s32 $0xFFFFFF00  }
0x64: {  	v4 =	vld [tilespmem:$0xA000]  }
0x65: {  	v5 =	vld [tilespmem:$0xA010]  }
0x66: {  	v6 =	vld [tilespmem:$0xA020]  }
0x67: {  	v7 =	vld [tilespmem:$0xA030]  }
0x68: {  	v8 =	vld [tilespmem:$0xA040]  }
0x69: {  	v9 =	vld [tilespmem:$0xA050];
	v4 =	vmax.f32 v4, $0.0e+00  }
0x6a: {  	v4 =	vmax.f32 v4, v5;
	v5 =	vld [tilespmem:$0xA060]  }
0x6b: {  	v4 =	vmax.f32 v4, v6;
	v6 =	vld [tilespmem:$0xA070]  }
0x6c: {  	v4 =	vmax.f32 v4, v7;
	v7 =	vld [tilespmem:$0xA080]  }
0x6d: {  	v60 =	vld [tilespmem:$0xA090];
	v4 =	vmax.f32 v4, v8  }
0x6e: {  	v61 =	vld [tilespmem:$0xA0A0];
	v4 =	vmax.f32 v4, v9  }
0x6f: {  	v4 =	vmax.f32 v4, v5;
	v5 =	vld [tilespmem:$0xA0B0]  }
0x70: {  	v4 =	vmax.f32 v4, v6;
	v6 =	vld [tilespmem:$0xA0C0]  }
0x71: {  	v4 =	vmax.f32 v4, v7;
	v7 =	vld [tilespmem:$0xA0D0]  }
0x72: {  	v62 =	vld [tilespmem:$0xA0E0];
	v4 =	vmax.f32 v4, v60  }
0x73: {  	v63 =	vld [tilespmem:$0xA0F0];
	v4 =	vmax.f32 v4, v61  }
0x74: {  	v4 =	vmax.f32 v4, v5  }
0x75: {  	v4 =	vmax.f32 v4, v6  }
0x76: {  	v4 =	vmax.f32 v4, v7  }
0x77: {  	v4 =	vmax.f32 v4, v62  }
0x78: {  	v4 =	vmax.f32 v4, v63  }
0x79: {  	v5 =	vperm.xlane v4, v0;
	_ =	sdelay $0x1  }
0x7a: {  	v4 =	vmax.f32 v4, v5  }
0x7b: {  	v5 =	vperm.xlane v4, v1;
	_ =	sdelay $0x1  }
0x7c: {  	v4 =	vmax.f32 v4, v5  }
0x7d: {  	v5 =	vperm.xlane v4, v2;
	_ =	sdelay $0x1  }
0x7e: {  	v4 =	vmax.f32 v4, v5  }
0x7f: {  	v5 =	vperm.xlane v4, v3;
	_ =	sdelay $0x1  }
0x80: {  	v4 =	vmax.f32 v4, v5  }
0x81: {  	(erf) = vrcp.f32 v4;
	_ =	sdelay $0x8  }
0x82: {  	s22 =	simm.s32 $0x0;
	s23 =	simm.s32 $0x40;
	v4 =	vpop (erf)  }
.LBB2_4:
0x83: {  	p2 =	sne.s32 s23, $0x9C0;
	v5 =	vld [tilespmem:s22+$0x9D00];
	_ =	sdelay $0x2  }
.Ltmp1:
0x84: {  	(pc) =	sbr.rel @p2 .LBB2_4-.Ltmp1, $3  }
0x85: {  	_ = 	snop  }
0x86: {  	v5 =	vmul.f32 v5, v4;
	_ =	sdelay $0x1  }
0x87: {  	[tilespmem:s22+$0x9D00] =	vst v5;
	s22 =	sshra.s32 s23, $0x2;
	s23 =	sadd.s32 $0x40, s23  }
0x88: {  	v5 =	vld [tilespmem:s22+$0x9D00];
	_ =	sdelay $0x4  }
0x89: {  	v4 =	vmul.f32 v5, v4;
	_ =	sdelay $0x1  }
0x8a: {  	s23 =	simm.s32 @!p1 $0x9D00;
	[tilespmem:s22+$0x9D00] =	vst v4;
	s22 =	simm.s32 @!p1 $0x0  }
0x8b: {  	[hbm4b:s10+s22] =	stream.linear.scatter @!p1 [tilespmem:s23], [sflag:$0x3], $0x190, $0x38;
	[tilespmem:$0xA390] =	vst v63  }
0x8c: {  	s22 =	simm.s32 @!p1 $0x3  }
0x8d: {  	s21 =	sadd.s32 $0x1, s21;
	_ =	swait.ge @!p1 [sflag:s22], $0x190  }
0x8e: {  	p2 =	sne.s32 s21, s12;
	[sflag:s22] =	ssyncset.done @!p1 $0x0  }
0x8f: {  	s23 =	simm.s32 @p0 $0x9D00;
	[sflag:s22] =	ssyncadd.s32 @!p1 $0xFFFFFE70;
	s22 =	simm.s32 @p0 $0x0  }
0x90: {  	[hbm4b:s11+s22] =	stream.linear.scatter @p0 [tilespmem:s23], [sflag:$0x3], $0x280, $0x38;
	[tilespmem:$0xA390] =	vst v63  }
.Ltmp2:
0x91: {  	_ = 	snop;
	(pc) =	sbr.rel @p2 .LBB2_1-.Ltmp2, $4  }
0x92: {  	s22 =	simm.s32 @p0 $0x3  }
0x93: {  	_ =	swait.ge @p0 [sflag:s22], $0x280  }
0x94: {  	[sflag:s22] =	ssyncset.done @p0 $0x0  }
0x95: {  	[sflag:s22] =	ssyncadd.s32 @p0 $0xFFFFFD80  }
0x96: {  	_ =	sfence.sel $0x180000  }
0x97: {  	[bflag:$0x0] =	sbarrier.arrive $0xFFFF  }
0x98: {  	p0 =	sne.s32 s1, $0x0;
	_ =	strace $0x90000047  }
0x99: {  	s0 =	sadd.s32 @!p0 $0x100000, s0;
	[bflag:$0x2] =	sbarrier.arrive $0xFFFF  }
0x9a: {  	[sflag:s0] =	ssyncadd.tile.s32 @!p0 $0x1;
	_ =	shalt  }
.Lfunc_end2:
_tile_overlayer_lowered:
.L_overlay_start_2:
0x9b: {  	(tag) =	ssettag $0x2  }
0x9c: {  	s0 =	rddreg [dreg:$0x0];
	s2 =	stileid.u32  }
0x9d: {  	s1 =	rddreg [dreg:$0x1];
	p0 =	sne.s32 s2, $0x0  }
0x9e: {  	s3 =	rddreg [dreg:$0x2];
	[bflag:$0x3] =	sbarrier.arrive $0xFFFF;
	s2 =	simm.s32 @!p0 $0x1C03  }
0x9f: {  	[timem:s3], [sflag:s2] =	dma.local @!p0 [hbm:s0], s1  }
0xa0: {  	s0 =	simm.s32 @!p0 $0x3  }
0xa1: {  	_ =	swait.ge @!p0 [sflag:s0], s1  }
0xa2: {  	s1 =	ssub.s32 @!p0 $0x0, s1;
	[sflag:s0] =	ssyncset.done @!p0 $0x0  }
0xa3: {  	[sflag:s0] =	ssyncadd.s32 @!p0 s1  }
0xa4: {  	[bflag:$0x3] =	sbarrier.arrive $0xFFFF  }
0xa5: {  	_ =	shalt  }

</sc_bundles>
